<compile_context>
chip_gen: v7x
topology: tpu7x:2x2x1
jax: 0.10.2.dev20260603
libtpu: 0.0.44.dev20260713+nightly
codegen_flags: <defaults>
</compile_context>

<pallas_src>
import functools
import jax
import jax.numpy as jnp
from jax import lax
from jax.experimental import pallas as pl
from jax.experimental.pallas import tpu as pltpu, tpu_sc as plsc

BS = 512


def _add_body(idxx_ref, ex_ref, posyz_ref, x_ref, out_ref):
    d3 = ex_ref.shape[-1]
    nrow = ex_ref.shape[0]
    bs = idxx_ref.shape[-1]
    ix = idxx_ref[0, 0]
    iot = lax.broadcasted_iota(jnp.int32, (bs, nrow), 1)
    oh = (iot == ix[:, None]).astype(jnp.float32)
    posx = jnp.dot(oh, ex_ref[...], preferred_element_type=jnp.float32)
    out_ref[:, :, :d3] = x_ref[:, :, :d3] + posx[None]
    out_ref[:, :, d3:] = x_ref[:, :, d3:] + posyz_ref[...][None]


def _make_sc_gather(S, d3):
    info = plsc.get_sparse_core_info()
    nw = info.num_cores * info.num_subcores
    spw = S // nw
    mesh = plsc.VectorSubcoreMesh(core_axis_name="c", subcore_axis_name="s")

    @functools.partial(
        pl.kernel, mesh=mesh,
        out_type=jax.ShapeDtypeStruct((S, 2 * d3), jnp.float32),
        scratch_types=[
            pltpu.VMEM((spw,), jnp.int32),
            pltpu.VMEM((spw, 2 * d3), jnp.float32),
            pltpu.SemaphoreType.DMA,
        ],
    )
    def sc_gather(yztab_hbm, idx_hbm, posyz_hbm, idx_v, ryz_v, sem):
        wid = lax.axis_index("s") * info.num_cores + lax.axis_index("c")
        base = wid * spw
        pltpu.sync_copy(idx_hbm.at[pl.ds(base, spw)], idx_v)
        pltpu.async_copy(yztab_hbm.at[idx_v], ryz_v, sem).wait()
        pltpu.sync_copy(ryz_v, posyz_hbm.at[pl.ds(base, spw)])

    return sc_gather


def kernel(x, src_tgt, emb_x, emb_y, emb_z, src_pos_x, src_pos_y, src_pos_z):
    B, S, D = x.shape
    d3 = emb_x.shape[1]
    nx, ny, nz = emb_x.shape[0], emb_y.shape[0], emb_z.shape[0]

    is_src = (src_tgt != 0)
    sx = jnp.concatenate([jnp.array([nx - 1], jnp.int32), src_pos_x])[:S]
    sy = jnp.concatenate([jnp.array([ny - 1], jnp.int32), src_pos_y])[:S]
    sz = jnp.concatenate([jnp.array([nz - 1], jnp.int32), src_pos_z])[:S]
    px = jnp.where(is_src, src_pos_x, sx)
    py = jnp.where(is_src, src_pos_y, sy)
    pz = jnp.where(is_src, src_pos_z, sz)

    yztab = jnp.concatenate(
        [jnp.repeat(emb_y, nz, axis=0), jnp.tile(emb_z, (ny, 1))], axis=1)
    posyz = _make_sc_gather(S, d3)(yztab, py * nz + pz)

    nxp = (nx + 7) // 8 * 8
    ex = jnp.zeros((nxp, d3), jnp.float32).at[:nx].set(emb_x)

    nb = S // BS
    idxx = px.reshape(nb, 1, BS)
    out = pl.pallas_call(
        _add_body,
        grid=(nb,),
        in_specs=[
            pl.BlockSpec((1, 1, BS), lambda i: (i, 0, 0)),
            pl.BlockSpec((nxp, d3), lambda i: (0, 0)),
            pl.BlockSpec((BS, 2 * d3), lambda i: (i, 0)),
            pl.BlockSpec((B, BS, D), lambda i: (0, i, 0)),
        ],
        out_specs=pl.BlockSpec((B, BS, D), lambda i: (0, i, 0)),
        out_shape=jax.ShapeDtypeStruct((B, S, D), jnp.float32),
    )(idxx, ex, posyz, x)
    return out

# --- scband reference (transcript-rebuilt; emitter-appended) ---
"""Pipeline reference for scband-positional-embedding3-d-61830349193550 (READ-ONLY COPY).

The authoritative reference and input builder live on the scoring server;
editing this copy changes nothing except your own understanding.
"""

import jax, jax.numpy as jnp
import numpy as np

D_MODEL = 768
SRC_SHAPE = (16, 16, 16)
TGT_SHAPE = (16, 16, 16)
TGT_OFFSET = (16, 0, 0)
BATCH = 4


def setup_inputs(seed: int = 0) -> dict:
    key = jax.random.key(seed)
    k1, k2, k3, k4 = jax.random.split(key, 4)
    S = int(np.prod(SRC_SHAPE))
    x = jax.random.normal(k1, (BATCH, S, D_MODEL), dtype=jnp.float32)

    x_max = TGT_OFFSET[0] + TGT_SHAPE[0]
    y_max = TGT_OFFSET[1] + TGT_SHAPE[1]
    z_max = TGT_OFFSET[2] + TGT_SHAPE[2]
    d3 = D_MODEL // 3
    emb_x = jax.random.normal(k2, (x_max + 1, d3), dtype=jnp.float32) * 0.02
    emb_y = jax.random.normal(k3, (y_max + 1, d3), dtype=jnp.float32) * 0.02
    emb_z = jax.random.normal(k4, (z_max + 1, d3), dtype=jnp.float32) * 0.02

    ii, jj, kk = np.meshgrid(
        np.arange(SRC_SHAPE[0]), np.arange(SRC_SHAPE[1]), np.arange(SRC_SHAPE[2]),
        indexing='ij')
    src_pos_x = jnp.asarray(ii.reshape(-1), dtype=jnp.int32)
    src_pos_y = jnp.asarray(jj.reshape(-1), dtype=jnp.int32)
    src_pos_z = jnp.asarray(kk.reshape(-1), dtype=jnp.int32)

    return {
        'x': x,
        'src_tgt': 1,
        'emb_x': emb_x,
        'emb_y': emb_y,
        'emb_z': emb_z,
        'src_pos_x': src_pos_x,
        'src_pos_y': src_pos_y,
        'src_pos_z': src_pos_z,
    }


def reference(x, src_tgt, emb_x, emb_y, emb_z, src_pos_x, src_pos_y, src_pos_z):
    # src_tgt=True (src path): gather per-axis positional embeddings and concat.
    px_src = jnp.take(emb_x, src_pos_x, axis=0)
    py_src = jnp.take(emb_y, src_pos_y, axis=0)
    pz_src = jnp.take(emb_z, src_pos_z, axis=0)
    # tgt path: prepend sentinel index (max_seq_len) then truncate to x.shape[1]
    sx = jnp.concatenate([jnp.array([emb_x.shape[0] - 1], dtype=src_pos_x.dtype), src_pos_x])[: x.shape[1]]
    sy = jnp.concatenate([jnp.array([emb_y.shape[0] - 1], dtype=src_pos_y.dtype), src_pos_y])[: x.shape[1]]
    sz = jnp.concatenate([jnp.array([emb_z.shape[0] - 1], dtype=src_pos_z.dtype), src_pos_z])[: x.shape[1]]
    px_tgt = jnp.take(emb_x, sx, axis=0)
    py_tgt = jnp.take(emb_y, sy, axis=0)
    pz_tgt = jnp.take(emb_z, sz, axis=0)
    is_src = (src_tgt != 0)
    px = jnp.where(is_src, px_src, px_tgt)
    py = jnp.where(is_src, py_src, py_tgt)
    pz = jnp.where(is_src, pz_src, pz_tgt)
    pos_embedding = jnp.concatenate([px, py, pz], axis=-1)  # [S, d_model]
    return x + pos_embedding[None, :, :]

if __name__ == "__main__":
    import jax
    _d = setup_inputs()
    print(jax.jit(kernel)(*tuple(_d.values())))

</pallas_src>

<mosaic_0001>
#map = affine_map<(d0, d1) -> (0, 0)>
#map1 = affine_map<(d0, d1) -> (0)>
module attributes {stable_mosaic.version = 14 : i64} {
  func.func @sc_gather(%arg0: i32, %arg1: i32, %arg2: memref<289x512xf32, #tpu.memory_space<hbm>>, %arg3: memref<4096xi32, #tpu.memory_space<hbm>>, %arg4: memref<4096x512xf32, #tpu.memory_space<hbm>>, %arg5: memref<128xi32, #tpu.memory_space<vmem>>, %arg6: memref<128x512xf32, #tpu.memory_space<vmem>>, %arg7: memref<!tpu.dma_semaphore, #tpu.memory_space<semaphore_mem>>) attributes {dimension_semantics = [#tpu.dimension_semantics<core_parallel>, #tpu.dimension_semantics<subcore_parallel>], iteration_bounds = array<i64: 2, 16>, scalar_prefetch = 0 : i64, scratch_operands = 3 : i64, tpu.core_type = #tpu.core_type<sc_vector_subcore>, window_params = [{transform_indices = #map}, {transform_indices = #map1}, {transform_indices = #map}]} {
    %mul3A = arith.constant 2 : i32
    %mul3A_0 = arith.muli %arg1, %mul3A : i32
    %add3A = arith.addi %mul3A_0, %arg0 : i32
    %mul3A_1 = arith.constant 128 : i32
    %mul3A_2 = arith.muli %add3A, %mul3A_1 : i32
    "tpu.region"() ({
      %run_scoped3A = tpu.sem_alloc : memref<!tpu.dma_semaphore, #tpu.memory_space<semaphore_mem>>
      %dma_start3A_7 = tpu.memref_slice %arg3[%mul3A_2] : memref<4096xi32, #tpu.memory_space<hbm>> -> memref<128xi32, #tpu.memory_space<hbm>>
      %dma_start3A_8 = tpu.memref_slice %arg3[%mul3A_2] : memref<4096xi32, #tpu.memory_space<hbm>> -> memref<128xi32, #tpu.memory_space<hbm>>
      tpu.enqueue_dma source(%dma_start3A_8 : memref<128xi32, #tpu.memory_space<hbm>>) target(%arg5 : memref<128xi32, #tpu.memory_space<vmem>>) target_semaphore(%run_scoped3A : memref<!tpu.dma_semaphore, #tpu.memory_space<semaphore_mem>>)
      %dma_wait3A_9 = tpu.memref_slice %arg3[%mul3A_2] : memref<4096xi32, #tpu.memory_space<hbm>> -> memref<128xi32, #tpu.memory_space<hbm>>
      %dma_wait3A_10 = tpu.memref_slice %arg3[%mul3A_2] : memref<4096xi32, #tpu.memory_space<hbm>> -> memref<128xi32, #tpu.memory_space<hbm>>
      tpu.wait_dma2 semaphore(%run_scoped3A : memref<!tpu.dma_semaphore, #tpu.memory_space<semaphore_mem>>) src(%dma_wait3A_10 : memref<128xi32, #tpu.memory_space<hbm>>) dst(%arg5 : memref<128xi32, #tpu.memory_space<vmem>>)
      tpu.yield
    }) : () -> ()
    %dma_start3A = arith.constant 0 : i32
    %dma_start3A_3 = arith.constant 0 : i32
    %dma_start3A_4 = tpu.memref_slice %arg2[%dma_start3A, %dma_start3A_3] : memref<289x512xf32, #tpu.memory_space<hbm>> -> memref<289x512xf32, #tpu.memory_space<hbm>>
    tpu.enqueue_indirect_dma source(%dma_start3A_4 : memref<289x512xf32, #tpu.memory_space<hbm>>) target(%arg6 : memref<128x512xf32, #tpu.memory_space<vmem>>) offsets(%arg5 : memref<128xi32, #tpu.memory_space<vmem>>) semaphore(%arg7 : memref<!tpu.dma_semaphore, #tpu.memory_space<semaphore_mem>>)
    %dma_wait3A = arith.constant 0 : i32
    %dma_wait3A_5 = arith.constant 0 : i32
    %dma_wait3A_6 = tpu.memref_slice %arg2[%dma_wait3A, %dma_wait3A_5] : memref<289x512xf32, #tpu.memory_space<hbm>> -> memref<289x512xf32, #tpu.memory_space<hbm>>
    tpu.wait_indirect_dma semaphore(%arg7 : memref<!tpu.dma_semaphore, #tpu.memory_space<semaphore_mem>>) src(%dma_wait3A_6 : memref<289x512xf32, #tpu.memory_space<hbm>>) dst(%arg6 : memref<128x512xf32, #tpu.memory_space<vmem>>)
    "tpu.region"() ({
      %run_scoped3A = tpu.sem_alloc : memref<!tpu.dma_semaphore, #tpu.memory_space<semaphore_mem>>
      %dma_start3A_7 = arith.constant 0 : i32
      %dma_start3A_8 = tpu.memref_slice %arg4[%mul3A_2, %dma_start3A_7] : memref<4096x512xf32, #tpu.memory_space<hbm>> -> memref<128x512xf32, #tpu.memory_space<hbm>>
      %dma_start3A_9 = arith.constant 0 : i32
      %dma_start3A_10 = tpu.memref_slice %arg4[%mul3A_2, %dma_start3A_9] : memref<4096x512xf32, #tpu.memory_space<hbm>> -> memref<128x512xf32, #tpu.memory_space<hbm>>
      tpu.enqueue_dma source(%arg6 : memref<128x512xf32, #tpu.memory_space<vmem>>) target(%dma_start3A_10 : memref<128x512xf32, #tpu.memory_space<hbm>>) target_semaphore(%run_scoped3A : memref<!tpu.dma_semaphore, #tpu.memory_space<semaphore_mem>>)
      %dma_wait3A_11 = arith.constant 0 : i32
      %dma_wait3A_12 = tpu.memref_slice %arg4[%mul3A_2, %dma_wait3A_11] : memref<4096x512xf32, #tpu.memory_space<hbm>> -> memref<128x512xf32, #tpu.memory_space<hbm>>
      %dma_wait3A_13 = arith.constant 0 : i32
      %dma_wait3A_14 = tpu.memref_slice %arg4[%mul3A_2, %dma_wait3A_13] : memref<4096x512xf32, #tpu.memory_space<hbm>> -> memref<128x512xf32, #tpu.memory_space<hbm>>
      tpu.wait_dma2 semaphore(%run_scoped3A : memref<!tpu.dma_semaphore, #tpu.memory_space<semaphore_mem>>) src(%arg6 : memref<128x512xf32, #tpu.memory_space<vmem>>) dst(%dma_wait3A_14 : memref<128x512xf32, #tpu.memory_space<hbm>>)
      tpu.yield
    }) : () -> ()
    return
  }
}

module attributes {stable_mosaic.version = 14 : i64} {
  func.func @_add_body(%arg0: i32, %arg1: memref<1x1x512xi32, #tpu.memory_space<vmem>>, %arg2: memref<40x256xf32, #tpu.memory_space<vmem>>, %arg3: memref<512x512xf32, #tpu.memory_space<vmem>>, %arg4: memref<4x512x768xf32, #tpu.memory_space<vmem>>, %arg5: memref<4x512x768xf32, #tpu.memory_space<vmem>>) attributes {dimension_semantics = [#tpu.dimension_semantics<arbitrary>], iteration_bounds = array<i64: 8>, scalar_prefetch = 0 : i64, scratch_operands = 0 : i64, tpu.core_type = #tpu.core_type<tc>, window_params = [{transform_indices = @transform_0, window_bounds = array<i64: 1, 1, 512>}, {pipeline_mode = #tpu.pipeline_mode<synchronous>, transform_indices = @transform_1, window_bounds = array<i64: 40, 256>}, {transform_indices = @transform_2, window_bounds = array<i64: 512, 512>}, {transform_indices = @transform_3, window_bounds = array<i64: 4, 512, 768>}, {transform_indices = @transform_4, window_bounds = array<i64: 4, 512, 768>}]} {
    %get3A = arith.constant 0 : index
    %get3A_0 = arith.constant 0 : index
    %get3A_1 = arith.constant 0 : index
    %get3A_2 = vector.load %arg1[%get3A, %get3A_0, %get3A_1] : memref<1x1x512xi32, #tpu.memory_space<vmem>>, vector<1x1x512xi32>
    %get3A_3 = vector.shape_cast %get3A_2 : vector<1x1x512xi32> to vector<512xi32>
    %iota3A = tpu.iota {dimensions = array<i32: 1>} : vector<512x40xi32>
    %broadcast_in_dim3A = vector.shape_cast %get3A_3 : vector<512xi32> to vector<512x1xi32>
    %eq3A = vector.broadcast %broadcast_in_dim3A : vector<512x1xi32> to vector<512x40xi32>
    %eq3A_4 = arith.cmpi eq, %iota3A, %eq3A : vector<512x40xi32>
    %convert_element_type3A = arith.extui %eq3A_4 : vector<512x40xi1> to vector<512x40xi32>
    %convert_element_type3A_5 = arith.sitofp %convert_element_type3A : vector<512x40xi32> to vector<512x40xf32>
    %get3A_6 = arith.constant 0 : index
    %get3A_7 = arith.constant 0 : index
    %get3A_8 = vector.load %arg2[%get3A_6, %get3A_7] : memref<40x256xf32, #tpu.memory_space<vmem>>, vector<40x256xf32>
    %dot_general3A = arith.constant dense<0.000000e+00> : vector<512x256xf32>
    %dot_general3A_9 = tpu.matmul %convert_element_type3A_5, %get3A_8, %dot_general3A {dimension_numbers = #tpu.dot_dimension_numbers<[1], [0], [0], [1], [0, 0, 1, 1], [], []>, transpose_lhs_hint = false} : vector<512x40xf32>, vector<40x256xf32>, vector<512x256xf32> -> vector<512x256xf32>
    %get3A_10 = arith.constant 0 : index
    %get3A_11 = arith.constant 0 : index
    %get3A_12 = arith.constant 0 : index
    %get3A_13 = vector.load %arg4[%get3A_10, %get3A_11, %get3A_12] : memref<4x512x768xf32, #tpu.memory_space<vmem>>, vector<4x512x256xf32>
    %broadcast_in_dim3A_14 = vector.shape_cast %dot_general3A_9 : vector<512x256xf32> to vector<1x512x256xf32>
    %add3A = vector.broadcast %broadcast_in_dim3A_14 : vector<1x512x256xf32> to vector<4x512x256xf32>
    %add3A_15 = arith.addf %get3A_13, %add3A : vector<4x512x256xf32>
    %swap3A = arith.constant 0 : index
    %swap3A_16 = arith.constant 0 : index
    %swap3A_17 = arith.constant 0 : index
    %swap3A_18 = vector.load %arg5[%swap3A, %swap3A_16, %swap3A_17] : memref<4x512x768xf32, #tpu.memory_space<vmem>>, vector<4x512x256xf32>
    tpu.vector_store %arg5[%swap3A, %swap3A_16, %swap3A_17], %add3A_15 {strides = array<i32>} : memref<4x512x768xf32, #tpu.memory_space<vmem>>, vector<4x512x256xf32>,
    %get3A_19 = arith.constant 0 : index
    %get3A_20 = arith.constant 0 : index
    %get3A_21 = arith.constant 256 : index
    %get3A_22 = vector.load %arg4[%get3A_19, %get3A_20, %get3A_21] : memref<4x512x768xf32, #tpu.memory_space<vmem>>, vector<4x512x512xf32>
    %get3A_23 = arith.constant 0 : index
    %get3A_24 = arith.constant 0 : index
    %get3A_25 = vector.load %arg3[%get3A_23, %get3A_24] : memref<512x512xf32, #tpu.memory_space<vmem>>, vector<512x512xf32>
    %broadcast_in_dim3A_26 = vector.shape_cast %get3A_25 : vector<512x512xf32> to vector<1x512x512xf32>
    %add3A_27 = vector.broadcast %broadcast_in_dim3A_26 : vector<1x512x512xf32> to vector<4x512x512xf32>
    %add3A_28 = arith.addf %get3A_22, %add3A_27 : vector<4x512x512xf32>
    %swap3A_29 = arith.constant 0 : index
    %swap3A_30 = arith.constant 0 : index
    %swap3A_31 = arith.constant 256 : index
    %swap3A_32 = vector.load %arg5[%swap3A_29, %swap3A_30, %swap3A_31] : memref<4x512x768xf32, #tpu.memory_space<vmem>>, vector<4x512x512xf32>
    tpu.vector_store %arg5[%swap3A_29, %swap3A_30, %swap3A_31], %add3A_28 {strides = array<i32>} : memref<4x512x768xf32, #tpu.memory_space<vmem>>, vector<4x512x512xf32>,
    return
  }
  func.func @transform_0(%arg0: i32) -> (i32, i32, i32) {
    %c0_i32 = arith.constant 0 : i32
    %c0_i32_0 = arith.constant 0 : i32
    %c0_i32_1 = arith.constant 0 : i32
    return %arg0, %c0_i32, %c0_i32_0 : i32, i32, i32
  }
  func.func @transform_1(%arg0: i32) -> (i32, i32) {
    %c0_i32 = arith.constant 0 : i32
    %c0_i32_0 = arith.constant 0 : i32
    %c0_i32_1 = arith.constant 0 : i32
    return %c0_i32, %c0_i32_0 : i32, i32
  }
  func.func @transform_2(%arg0: i32) -> (i32, i32) {
    %c0_i32 = arith.constant 0 : i32
    %c0_i32_0 = arith.constant 0 : i32
    return %arg0, %c0_i32 : i32, i32
  }
  func.func @transform_3(%arg0: i32) -> (i32, i32, i32) {
    %c0_i32 = arith.constant 0 : i32
    %c0_i32_0 = arith.constant 0 : i32
    %c0_i32_1 = arith.constant 0 : i32
    return %c0_i32, %arg0, %c0_i32_0 : i32, i32, i32
  }
  func.func @transform_4(%arg0: i32) -> (i32, i32, i32) {
    %c0_i32 = arith.constant 0 : i32
    %c0_i32_0 = arith.constant 0 : i32
    %c0_i32_1 = arith.constant 0 : i32
    return %c0_i32, %arg0, %c0_i32_0 : i32, i32, i32
  }
}

</mosaic_0001>

<sc_bundles>
// kernel: kernel.4.cloned.1.call-start
scs
__scs_entry_jumppad:
0x0: {  	(pc) =	sbr.rel $0x88, $3  }
0x1: {  	(tag) =	ssettag $0x0;
	lr =	simm.s32 $0x1  }
0x2: {  	[smem:$0x3F99] =	sst lr;
	_ =	strace $0xD0000000  }
0x3: {  	_ = 	snop  }
0x4: {  	_ = 	snop  }
0x5: {  	_ = 	snop  }
0x6: {  	_ = 	snop  }
0x7: {  	_ = 	snop  }
__scs_overlays_trampoline_lowered:
0x8: {  	[smem:$0x3FA8] =	sst s0  }
0x9: {  	[smem:$0x3FA9] =	sst s1  }
0xa: {  	[smem:$0x3FAA] =	sst s2  }
0xb: {  	[smem:$0x3FAB] =	sst s3  }
0xc: {  	[smem:$0x3FAC] =	sst s4  }
0xd: {  	[smem:$0x3FAD] =	sst s5  }
0xe: {  	[smem:$0x3FAE] =	sst s6  }
0xf: {  	[smem:$0x3FAF] =	sst s7  }
0x10: {  	[smem:$0x3FB0] =	sst s8  }
0x11: {  	[smem:$0x3FB1] =	sst s9;
	s0 =	simm.s32 @!p0 $0x0  }
0x12: {  	s1 =	sld [smem:$0x3F97];
	s0 =	simm.s32 @p0 $0x1  }
0x13: {  	[smem:$0x3FB2] =	sst s0;
	s0 =	simm.s32 @!p1 $0x0  }
0x14: {  	s2 =	sld [smem:$0x3F96];
	s0 =	simm.s32 @p1 $0x1  }
0x15: {  	[smem:$0x3FB3] =	sst s0;
	s0 =	simm.s32 @!p2 $0x0  }
0x16: {  	s3 =	sld [smem:$0x3FDB];
	s0 =	simm.s32 @p2 $0x1  }
0x17: {  	s4 =	simm.s32 $0x1BF5;
	[smem:$0x3FB5] =	sst s0  }
0x18: {  	s0 =	sld [smem:$0x3F98];
	_ =	swait.ge [sflag:s4], $0x0  }
0x19: {  	s7 =	sld [smem:$0x3F99]  }
0x1a: {  	s8 =	sadd.s32 $0xFFFFE003, lr  }
0x1b: {  	s9 =	sadd.s32 $0xFFFFFEF7, lr;
	s5 =	simm.s32 $0xFFFFFFFF;
	p2 =	slt.u32 s8, $0xFFFFF086  }
0x1c: {  	p1 =	slt.u32 s9, $0xF7A;
	s5 =	simm.s32 @!p2 $0x0  }
0x1d: {  	s5 =	simm.s32 @p1 $0x1;
	p0 =	seq.s32 s7, s2  }
0x1e: {  	s7 =	smul.u32 @!p0 $0xF7A, s2;
	p2 =	seq.s32 @!p0 s5, $0x0  }
0x1f: {  	s9 =	smul.u32 $0xF7A, s1;
	s8 =	simm.s32 @!p0 $0x1BF5;
	p2 =	por !p2, p0  }
0x20: {  	[sflag:s8] =	ssyncset.s32 @!p0 $0xFFFFF086;
	s6 =	sadd.s32 @!p0 s3, s7;
	s7 =	simm.s32 @!p0 $0x108  }
0x21: {  	s3 =	sadd.s32 s3, s9;
	s6 =	sadd.s32 @!p0 $0x88, s6;
	s7 =	simm.s32 @p2 $0x1082  }
0x22: {  	[simem:s7], [sflag:s8] =	dma.local @!p0 [hbm:s6], $0xF7A  }
0x23: {  	s9 =	sor.u32 $0xD0000000, s2;
	s6 =	simm.s32 $0x108;
	_ =	swait.ge @!p0 [sflag:s8], $0x0  }
0x24: {  	s3 =	sadd.s32 $0x88, s3;
	s6 =	simm.s32 @!p1 $0x1082;
	[sflag:s4] =	ssyncset.s32 $0xFFFFF086  }
0x25: {  	[simem:s6], [sflag:s4] =	dma.local [hbm:s3], $0xF7A  }
0x26: {  	[smem:$0x3F99] =	sst s1;
	(tag) =	ssettag s2;
	_ =	strace s9  }
0x27: {  	s1 =	sld [smem:$0x3FA9]  }
0x28: {  	s2 =	sld [smem:$0x3FAA]  }
0x29: {  	s4 =	sld [smem:$0x3FAC]  }
0x2a: {  	p0 =	seq.s32 s5, $0x0;
	s5 =	sld [smem:$0x3FAD]  }
0x2b: {  	s6 =	sld [smem:$0x3FAE]  }
0x2c: {  	s7 =	sld [smem:$0x3FAF]  }
0x2d: {  	s3 =	simm.s32 $0x108;
	s8 =	sld [smem:$0x3FB0]  }
0x2e: {  	s3 =	simm.s32 @!p0 $0x1082;
	s9 =	sld [smem:$0x3FB1]  }
0x2f: {  	lr =	sadd.s32 s0, s3;
	s0 =	sld [smem:$0x3FA8]  }
0x30: {  	s3 =	sld [smem:$0x3FAB]  }
0x31: {  	[smem:$0x3FB4] =	sst s10  }
0x32: {  	s10 =	sld [smem:$0x3FB2];
	_ =	sdelay $0x3  }
0x33: {  	p0 =	seq.s32 s10, $0x1;
	s10 =	sld [smem:$0x3FB4];
	_ =	sdelay $0x3  }
0x34: {  	[smem:$0x3FB4] =	sst s10  }
0x35: {  	s10 =	sld [smem:$0x3FB3];
	_ =	sdelay $0x3  }
0x36: {  	p1 =	seq.s32 s10, $0x1;
	s10 =	sld [smem:$0x3FB4];
	_ =	sdelay $0x3  }
0x37: {  	[smem:$0x3FB4] =	sst s10  }
0x38: {  	s10 =	sld [smem:$0x3FB5]  }
0x39: {  	_ = 	snop;
	(pc) =	sbr.ind lr, $3  }
0x3a: {  	_ = 	snop  }
0x3b: {  	_ = 	snop  }
0x3c: {  	p2 =	seq.s32 s10, $0x1;
	s10 =	sld [smem:$0x3FB4]  }
0x3d: {  	_ =	shalt  }
0x3e: {  	_ =	shalt  }
0x3f: {  	_ =	shalt  }
0x40: {  	_ =	shalt  }
0x41: {  	_ =	shalt  }
0x42: {  	_ =	shalt  }
0x43: {  	_ =	shalt  }
0x44: {  	_ =	shalt  }
0x45: {  	_ =	shalt  }
0x46: {  	_ =	shalt  }
0x47: {  	_ =	shalt  }
0x48: {  	_ =	shalt  }
0x49: {  	_ =	shalt  }
0x4a: {  	_ =	shalt  }
0x4b: {  	_ =	shalt  }
0x4c: {  	_ =	shalt  }
0x4d: {  	_ =	shalt  }
0x4e: {  	_ =	shalt  }
0x4f: {  	_ =	shalt  }
0x50: {  	_ =	shalt  }
0x51: {  	_ =	shalt  }
0x52: {  	_ =	shalt  }
0x53: {  	_ =	shalt  }
0x54: {  	_ =	shalt  }
0x55: {  	_ =	shalt  }
0x56: {  	_ =	shalt  }
0x57: {  	_ =	shalt  }
0x58: {  	_ =	shalt  }
0x59: {  	_ =	shalt  }
0x5a: {  	_ =	shalt  }
0x5b: {  	_ =	shalt  }
0x5c: {  	_ =	shalt  }
0x5d: {  	_ =	shalt  }
0x5e: {  	_ =	shalt  }
0x5f: {  	_ =	shalt  }
0x60: {  	_ =	shalt  }
0x61: {  	_ =	shalt  }
0x62: {  	_ =	shalt  }
0x63: {  	_ =	shalt  }
0x64: {  	_ =	shalt  }
0x65: {  	_ =	shalt  }
0x66: {  	_ =	shalt  }
0x67: {  	_ =	shalt  }
0x68: {  	_ =	shalt  }
0x69: {  	_ =	shalt  }
0x6a: {  	_ =	shalt  }
0x6b: {  	_ =	shalt  }
0x6c: {  	_ =	shalt  }
0x6d: {  	_ =	shalt  }
0x6e: {  	_ =	shalt  }
0x6f: {  	_ =	shalt  }
0x70: {  	_ =	shalt  }
0x71: {  	_ =	shalt  }
0x72: {  	_ =	shalt  }
0x73: {  	_ =	shalt  }
0x74: {  	_ =	shalt  }
0x75: {  	_ =	shalt  }
0x76: {  	_ =	shalt  }
0x77: {  	_ =	shalt  }
0x78: {  	_ =	shalt  }
0x79: {  	_ =	shalt  }
0x7a: {  	_ =	shalt  }
0x7b: {  	_ =	shalt  }
0x7c: {  	_ =	shalt  }
0x7d: {  	_ =	shalt  }
0x7e: {  	_ =	shalt  }
0x7f: {  	_ =	shalt  }
0x80: {  	_ =	shalt  }
0x81: {  	_ =	shalt  }
0x82: {  	_ =	shalt  }
0x83: {  	_ =	shalt  }
0x84: {  	_ =	shalt  }
0x85: {  	_ =	shalt  }
0x86: {  	_ =	shalt  }
0x87: {  	_ =	shalt  }
.Lfunc_end0:
.L_simem_size_0:
called_computation_lowered:
.L_overlay_start_0:
0x88: {  	s2 =	sld [smem:$0x3FD9]  }
0x89: {  	s3 =	sld [smem:$0x3FFE];
	_ =	sdelay $0x1  }
0x8a: {  	s1 =	srdreg.scid  }
0x8b: {  	s0 =	sand.u32 $0x1, s1  }
0x8c: {  	s17 =	sshll.u32 s0, $0xA;
	s2 =	sadd.s32 s3, s2  }
0x8d: {  	s2 =	sadd.s32 s2, s17  }
0x8e: {  	[smem:$0x3FC0] =	sst s2  }
0x8f: {  	_ = 	snop  }
0x90: {  	s2 =	sld [smem:$0x3FD0];
	(tm) =	ssettm $0x1  }
0x91: {  	s18 =	sld [smem:$0x3FFB];
	_ =	sdelay $0x3  }
0x92: {  	_ =	strace s18  }
0x93: {  	s3 =	sld [smem:$0x3FFC];
	_ =	sdelay $0x3  }
0x94: {  	_ =	strace s3  }
0x95: {  	s3 =	sld [smem:$0x3FFD];
	_ =	sdelay $0x3  }
0x96: {  	_ =	strace s3  }
0x97: {  	_ =	strace $0x8FFFFFFF  }
0x98: {  	s19 =	sld [smem:$0x3FDB];
	_ =	sdelay $0x1  }
0x99: {  	s4 =	simm.s32 $_scs_section_size  }
0x9a: {  	s5 =	simm.s32 $_size__tile_overlayer_lowered;
	s6 =	simm.s32 $_tile_overlayer_lowered  }
0x9b: {  	s22 =	simm.s32 $0x1BFF;
	s21 =	sshll.u32 s6, $0x1;
	s3 =	sadd.s32 s4, s19  }
0x9c: {  	s7 =	simm.s32 $0x0;
	s20 =	sshll.u32 s5, $0x1;
	s5 =	sadd.s32 s21, s3  }
0x9d: {  	[timem:s7], [sflag:s22] =	dma.local [hbm:s5], s20  }
0x9e: {  	_ =	swait.ge [sflag:s22], s20  }
0x9f: {  	s4 =	ssub.s32 $0x0, s20;
	[sflag:s22] =	ssyncset.done $0x0  }
0xa0: {  	[sflag:s22] =	ssyncadd.s32 s4;
	_ =	sdelay $0x1  }
0xa1: {  	s23 =	simm.s32 $0x1B8B  }
0xa2: {  	_ =	swait.ge [sflag:s23], $0x1  }
0xa3: {  	[sflag:s23] =	ssyncset.done $0x0  }
0xa4: {  	s25 =	simm.s32 $0x1B8E;
	s24 =	sld [smem:$0x3FFE];
	[sflag:s23] =	ssyncadd.s32 $0xFFFFFFFF  }
0xa5: {  	s26 =	simm.s32 $execute0_lowered;
	[smem:$0x3FD2] =	sst s25  }
0xa6: {  	s5 =	sshll.u32 s26, $0x1;
	_ =	strace $0x80000046;
	[dreg:$0x1] =	wrdreg $0xFFFFFFFF  }
0xa7: {  	s28 =	simm.s32 $_size_execute0_lowered;
	s3 =	sadd.s32 s3, s5;
	[dreg:$0x0] =	wrdreg $0x0  }
0xa8: {  	s5 =	sshll.u32 s28, $0x1;
	[dreg:$0x2] =	wrdreg s3  }
0xa9: {  	[dreg:$0x3] =	wrdreg s5  }
0xaa: {  	[dreg:$0x4] =	wrdreg $0xC0  }
0xab: {  	_ =	task [dreg:s7], $0x5FFFF  }
0xac: {  	[dreg:$0x1] =	wrdreg $0xFFFFFFFF  }
0xad: {  	[dreg:$0x0] =	wrdreg $0x60  }
0xae: {  	[dreg:$0x2] =	wrdreg s24  }
0xaf: {  	[dreg:$0x3] =	wrdreg s2  }
0xb0: {  	[dreg:$0x4] =	wrdreg $0x9  }
0xb1: {  	_ =	task.clear_ibuf [dreg:s7], $0x5FFFF;
	_ =	strace $0x90000046  }
0xb2: {  	s29 =	simm.s32 $0x9;
	_ =	strace $0x80000048  }
0xb3: {  	_ =	swait.ge [sflag:s29], $0x1  }
0xb4: {  	[sflag:s29] =	ssyncadd.s32 $0xFFFFFFFF  }
0xb5: {  	_ =	strace $0x90000048  }
0xb6: {  	_ =	sfence  }
0xb7: {  	s30 =	sld [smem:$0x0];
	_ =	sdelay $0x2  }
0xb8: {  	s31 =	sshll.u32 s1, $0xD;
	s1 =	sshrl.u32 s1, $0x2  }
0xb9: {  	s3 =	sand.u32 $0x4000, s31;
	s1 =	sadd.s32 s1, s30  }
0xba: {  	s0 =	sor.u32 s3, s0;
	s1 =	sshll.u32 s1, $0x11  }
0xbb: {  	s0 =	sor.u32 s1, s0  }
0xbc: {  	s0 =	sadd.s32 $0x8F2B, s0  }
0xbd: {  	[sflag:s0] =	ssyncadd.remote.s32 $0x1  }
0xbe: {  	_ =	sfence.sel $0xFFFF  }
0xbf: {  	[dreg:$0x0] =	wrdreg $0xFFFFFFFF;
	(pc) =	sbr.abs _section_cstart, $3  }
0xc0: {  	[dreg:$0x1] =	wrdreg $0xFFFFFFFF  }
0xc1: {  	_ =	task.clear_ibuf [dreg:s7], $0x2FFFF;
	_ =	strace $0x9FFFFFFF  }
0xc2: {  	(tm) =	ssettm $0x7FFFFFFF  }
0xc3: {  	_ =	shalt  }
tec
execute0_lowered:
.L_overlay_start_1:
0x0: {  	(tag) =	ssettag $0x1  }
0x1: {  	s1 =	srdreg.scid;
	s4 =	rddreg [dreg:$0x0]  }
0x2: {  	s0 =	stileid.u32;
	s5 =	rddreg [dreg:$0x1];
	s18 =	simm.s32 $0x880  }
0x3: {  	s19 =	simm.s32 $0x1080;
	s20 =	simm.s32 $0x1880;
	s21 =	simm.s32 $0x2080  }
0x4: {  	s23 =	simm.s32 $0x2880;
	s24 =	simm.s32 $0x3080;
	s25 =	simm.s32 $0x3880  }
0x5: {  	s26 =	simm.s32 $0x4080;
	s7 =	simm.s32 $0x80;
	s9 =	simm.s32 $0x5080  }
0x6: {  	s10 =	simm.s32 $0x5880;
	s11 =	simm.s32 $0x6080;
	s1 =	sand.u32 $0x1, s1  }
0x7: {  	s12 =	simm.s32 $0x6880;
	s2 =	sshll.u32 s0, $0x8;
	s3 =	sshll.u32 s1, $0x7  }
0x8: {  	s13 =	simm.s32 $0x7080;
	s3 =	sor.u32 s3, s2;
	s2 =	simm.s32 $0x0  }
0x9: {  	s14 =	simm.s32 $0x7880;
	s15 =	simm.s32 $0x8080;
	[smem:$0x7FF] =	sst s2  }
0xa: {  	s16 =	simm.s32 $0x8880;
	_ =	strace $0x80000047;
	[dreg:$0x5] =	wrdreg s18  }
0xb: {  	s17 =	simm.s32 $0x9080;
	s28 =	simm.s32 $0xE080;
	[dreg:$0x6] =	wrdreg s19  }
0xc: {  	s29 =	simm.s32 $0xE880;
	s30 =	simm.s32 $0xF080;
	[dreg:$0x7] =	wrdreg s20  }
0xd: {  	s31 =	simm.s32 $0xF880;
	s1 =	ssub.s32 $0x2, s1;
	[dreg:$0x8] =	wrdreg s21  }
0xe: {  	s22 =	sshrl.u32 s1, $0x1;
	s6 =	sshrl.u32 s3, $0x3;
	[dreg:$0x9] =	wrdreg s23  }
0xf: {  	s3 =	sshll.u32 s3, $0x6;
	s1 =	ssub.s32 s1, s22;
	[dreg:$0xa] =	wrdreg s24  }
0x10: {  	s22 =	simm.s32 $0xB880;
	s6 =	sadd.s32 s6, s4;
	[dreg:$0xb] =	wrdreg s25  }
0x11: {  	s3 =	sadd.s32 s5, s3;
	s5 =	smax.u32 s1, $0x1;
	[dreg:$0xc] =	wrdreg s26  }
0x12: {  	s18 =	simm.s32 $0x9880;
	s19 =	simm.s32 $0xA080;
	s20 =	simm.s32 $0xA880  }
0x13: {  	s21 =	simm.s32 $0xB080;
	s23 =	simm.s32 $0xC080;
	s24 =	simm.s32 $0xC880  }
0x14: {  	v2 =	vlaneseq.u32;
	s25 =	simm.s32 $0xD080;
	s26 =	simm.s32 $0xD880;
	s1 =	simm.s32 $0x1  }
0x15: {  	vm0 =	vmmov $0xffff;
	v1 =	vshrl.u32 v2, $0x3;
	s6 =	sadd.s32 $0x5200, s6;
	[dreg:$0x4] =	wrdreg s3;
	s3 =	sadd.s32 $0x800, s4  }
0x16: {  	v0 =	vand.u32 $0x7, v2;
	v2 =	vor.u32 $0x8, v2;
	v1 =	vmul.u32 $0x8, v1;
	s4 =	sadd.s32 $0x900, s4;
	[dreg:$0x3] =	wrdreg s6;
	s6 =	simm.s32 $0x2  }
.LBB2_1:
0x17: {  	s0 =	rddreg [dreg:$0x3]  }
0x18: {  	[tilespmem:s2], [sflag:$0x2] =	stream.linear.gather [hbm4b:s0+s2], $0x80, $0x38;
	[tilespmem:$0x10080] =	vst v63  }
0x19: {  	_ =	swait.ge [sflag:s6], $0x80  }
0x1a: {  	[sflag:s6] =	ssyncset.done $0x0  }
0x1b: {  	[sflag:s6] =	ssyncadd.s32 $0xFFFFFF80  }
0x1c: {  	v3 =	vld [tilespmem:$0x0];
	_ =	sdelay $0x4  }
0x1d: {  	v4 =	vshll.u32 v3, $0x2  }
0x1e: {  	v3 =	vand.u32 $0x7, v3;
	v4 =	vand.u32 $0xFFFFFFE0, v4  }
0x1f: {  	v3 =	vor.u32 v3, v4  }
0x20: {  	v4 =	vperm.xlane v3, v0;
	_ =	sdelay $0x1  }
0x21: {  	v4 =	vadd.s32 v1, v4;
	_ =	sdelay $0x1  }
0x22: {  	v3 =	vperm.xlane v3, v2;
	_ =	sdelay $0x1  }
0x23: {  	v3 =	vadd.s32 v1, v3  }
0x24: {  	[tilespmem:s7], [sflag:$0x1] =	stream.indirect_vreg.gather [hbm4b:s3+s2], $0x80, v4, vm0, $0xb8;
	[tilespmem:$0x10080] =	vst v63  }
0x25: {  	s0 =	rddreg [dreg:$0x5]  }
0x26: {  	[tilespmem:s0], [sflag:$0x1] =	stream.indirect_vreg.gather [hbm4b:s4+s2], $0x80, v4, vm0, $0xb8;
	[tilespmem:$0x10080] =	vst v63  }
0x27: {  	s8 =	rddreg [dreg:$0x6]  }
0x28: {  	[tilespmem:s8], [sflag:$0x1] =	stream.indirect_vreg.gather [hbm4b:s3+s2], $0x80, v3, vm0, $0xb8;
	[tilespmem:$0x10080] =	vst v63  }
0x29: {  	s0 =	rddreg [dreg:$0x7]  }
0x2a: {  	[tilespmem:s0], [sflag:$0x1] =	stream.indirect_vreg.gather [hbm4b:s4+s2], $0x80, v3, vm0, $0xb8;
	[tilespmem:$0x10080] =	vst v63  }
0x2b: {  	v3 =	vld [tilespmem:$0x10];
	_ =	sdelay $0x4  }
0x2c: {  	v57 =	vshll.u32 v3, $0x2  }
0x2d: {  	v3 =	vand.u32 $0x7, v3;
	v4 =	vand.u32 $0xFFFFFFE0, v57  }
0x2e: {  	v3 =	vor.u32 v3, v4  }
0x2f: {  	v4 =	vperm.xlane v3, v0;
	_ =	sdelay $0x1  }
0x30: {  	v4 =	vadd.s32 v1, v4;
	_ =	sdelay $0x1  }
0x31: {  	v3 =	vperm.xlane v3, v2;
	_ =	sdelay $0x1  }
0x32: {  	s0 =	rddreg [dreg:$0x8];
	v3 =	vadd.s32 v1, v3  }
0x33: {  	[tilespmem:s0], [sflag:$0x1] =	stream.indirect_vreg.gather [hbm4b:s3+s2], $0x80, v4, vm0, $0xb8;
	[tilespmem:$0x10080] =	vst v63  }
0x34: {  	s8 =	rddreg [dreg:$0x9]  }
0x35: {  	[tilespmem:s8], [sflag:$0x1] =	stream.indirect_vreg.gather [hbm4b:s4+s2], $0x80, v4, vm0, $0xb8;
	[tilespmem:$0x10080] =	vst v63  }
0x36: {  	s0 =	rddreg [dreg:$0xa]  }
0x37: {  	[tilespmem:s0], [sflag:$0x1] =	stream.indirect_vreg.gather [hbm4b:s3+s2], $0x80, v3, vm0, $0xb8;
	[tilespmem:$0x10080] =	vst v63  }
0x38: {  	s8 =	rddreg [dreg:$0xb]  }
0x39: {  	[tilespmem:s8], [sflag:$0x1] =	stream.indirect_vreg.gather [hbm4b:s4+s2], $0x80, v3, vm0, $0xb8;
	[tilespmem:$0x10080] =	vst v63  }
0x3a: {  	v3 =	vld [tilespmem:$0x20];
	_ =	sdelay $0x4  }
0x3b: {  	v58 =	vshll.u32 v3, $0x2  }
0x3c: {  	v3 =	vand.u32 $0x7, v3;
	v4 =	vand.u32 $0xFFFFFFE0, v58  }
0x3d: {  	v3 =	vor.u32 v3, v4  }
0x3e: {  	v4 =	vperm.xlane v3, v0;
	_ =	sdelay $0x1  }
0x3f: {  	v4 =	vadd.s32 v1, v4;
	_ =	sdelay $0x1  }
0x40: {  	v3 =	vperm.xlane v3, v2;
	_ =	sdelay $0x1  }
0x41: {  	s8 =	rddreg [dreg:$0xc];
	v3 =	vadd.s32 v1, v3  }
0x42: {  	[tilespmem:s8], [sflag:$0x1] =	stream.indirect_vreg.gather [hbm4b:s3+s2], $0x80, v4, vm0, $0xb8;
	[tilespmem:$0x10080] =	vst v63  }
0x43: {  	s8 =	simm.s32 $0x4880  }
0x44: {  	[tilespmem:s8], [sflag:$0x1] =	stream.indirect_vreg.gather [hbm4b:s4+s2], $0x80, v4, vm0, $0xb8;
	[tilespmem:$0x10080] =	vst v63  }
0x45: {  	_ = 	snop  }
0x46: {  	[tilespmem:s9], [sflag:$0x1] =	stream.indirect_vreg.gather [hbm4b:s3+s2], $0x80, v3, vm0, $0xb8;
	[tilespmem:$0x10080] =	vst v63  }
0x47: {  	_ = 	snop  }
0x48: {  	[tilespmem:s10], [sflag:$0x1] =	stream.indirect_vreg.gather [hbm4b:s4+s2], $0x80, v3, vm0, $0xb8;
	[tilespmem:$0x10080] =	vst v63  }
0x49: {  	v3 =	vld [tilespmem:$0x30];
	_ =	sdelay $0x4  }
0x4a: {  	v59 =	vshll.u32 v3, $0x2  }
0x4b: {  	v3 =	vand.u32 $0x7, v3;
	v4 =	vand.u32 $0xFFFFFFE0, v59  }
0x4c: {  	v3 =	vor.u32 v3, v4  }
0x4d: {  	v4 =	vperm.xlane v3, v0;
	_ =	sdelay $0x1  }
0x4e: {  	v4 =	vadd.s32 v1, v4;
	_ =	sdelay $0x1  }
0x4f: {  	v3 =	vperm.xlane v3, v2;
	_ =	sdelay $0x1  }
0x50: {  	v3 =	vadd.s32 v1, v3  }
0x51: {  	[tilespmem:s11], [sflag:$0x1] =	stream.indirect_vreg.gather [hbm4b:s3+s2], $0x80, v4, vm0, $0xb8;
	[tilespmem:$0x10080] =	vst v63  }
0x52: {  	_ = 	snop  }
0x53: {  	[tilespmem:s12], [sflag:$0x1] =	stream.indirect_vreg.gather [hbm4b:s4+s2], $0x80, v4, vm0, $0xb8;
	[tilespmem:$0x10080] =	vst v63  }
0x54: {  	_ = 	snop  }
0x55: {  	[tilespmem:s13], [sflag:$0x1] =	stream.indirect_vreg.gather [hbm4b:s3+s2], $0x80, v3, vm0, $0xb8;
	[tilespmem:$0x10080] =	vst v63  }
0x56: {  	_ = 	snop  }
0x57: {  	[tilespmem:s14], [sflag:$0x1] =	stream.indirect_vreg.gather [hbm4b:s4+s2], $0x80, v3, vm0, $0xb8;
	[tilespmem:$0x10080] =	vst v63  }
0x58: {  	v3 =	vld [tilespmem:$0x40];
	_ =	sdelay $0x4  }
0x59: {  	v60 =	vshll.u32 v3, $0x2  }
0x5a: {  	v3 =	vand.u32 $0x7, v3;
	v4 =	vand.u32 $0xFFFFFFE0, v60  }
0x5b: {  	v3 =	vor.u32 v3, v4  }
0x5c: {  	v4 =	vperm.xlane v3, v0;
	_ =	sdelay $0x1  }
0x5d: {  	v4 =	vadd.s32 v1, v4;
	_ =	sdelay $0x1  }
0x5e: {  	v3 =	vperm.xlane v3, v2;
	_ =	sdelay $0x1  }
0x5f: {  	v3 =	vadd.s32 v1, v3  }
0x60: {  	[tilespmem:s15], [sflag:$0x1] =	stream.indirect_vreg.gather [hbm4b:s3+s2], $0x80, v4, vm0, $0xb8;
	[tilespmem:$0x10080] =	vst v63  }
0x61: {  	_ = 	snop  }
0x62: {  	[tilespmem:s16], [sflag:$0x1] =	stream.indirect_vreg.gather [hbm4b:s4+s2], $0x80, v4, vm0, $0xb8;
	[tilespmem:$0x10080] =	vst v63  }
0x63: {  	_ = 	snop  }
0x64: {  	[tilespmem:s17], [sflag:$0x1] =	stream.indirect_vreg.gather [hbm4b:s3+s2], $0x80, v3, vm0, $0xb8;
	[tilespmem:$0x10080] =	vst v63  }
0x65: {  	_ = 	snop  }
0x66: {  	[tilespmem:s18], [sflag:$0x1] =	stream.indirect_vreg.gather [hbm4b:s4+s2], $0x80, v3, vm0, $0xb8;
	[tilespmem:$0x10080] =	vst v63  }
0x67: {  	v3 =	vld [tilespmem:$0x50];
	_ =	sdelay $0x4  }
0x68: {  	v61 =	vshll.u32 v3, $0x2  }
0x69: {  	v3 =	vand.u32 $0x7, v3;
	v4 =	vand.u32 $0xFFFFFFE0, v61  }
0x6a: {  	v3 =	vor.u32 v3, v4  }
0x6b: {  	v4 =	vperm.xlane v3, v0;
	_ =	sdelay $0x1  }
0x6c: {  	v4 =	vadd.s32 v1, v4;
	_ =	sdelay $0x1  }
0x6d: {  	v3 =	vperm.xlane v3, v2;
	_ =	sdelay $0x1  }
0x6e: {  	v3 =	vadd.s32 v1, v3  }
0x6f: {  	[tilespmem:s19], [sflag:$0x1] =	stream.indirect_vreg.gather [hbm4b:s3+s2], $0x80, v4, vm0, $0xb8;
	[tilespmem:$0x10080] =	vst v63  }
0x70: {  	_ = 	snop  }
0x71: {  	[tilespmem:s20], [sflag:$0x1] =	stream.indirect_vreg.gather [hbm4b:s4+s2], $0x80, v4, vm0, $0xb8;
	[tilespmem:$0x10080] =	vst v63  }
0x72: {  	_ = 	snop  }
0x73: {  	[tilespmem:s21], [sflag:$0x1] =	stream.indirect_vreg.gather [hbm4b:s3+s2], $0x80, v3, vm0, $0xb8;
	[tilespmem:$0x10080] =	vst v63  }
0x74: {  	_ = 	snop  }
0x75: {  	[tilespmem:s22], [sflag:$0x1] =	stream.indirect_vreg.gather [hbm4b:s4+s2], $0x80, v3, vm0, $0xb8;
	[tilespmem:$0x10080] =	vst v63  }
0x76: {  	v3 =	vld [tilespmem:$0x60];
	_ =	sdelay $0x4  }
0x77: {  	v62 =	vshll.u32 v3, $0x2  }
0x78: {  	v3 =	vand.u32 $0x7, v3;
	v4 =	vand.u32 $0xFFFFFFE0, v62  }
0x79: {  	v3 =	vor.u32 v3, v4  }
0x7a: {  	v4 =	vperm.xlane v3, v0;
	_ =	sdelay $0x1  }
0x7b: {  	v4 =	vadd.s32 v1, v4;
	_ =	sdelay $0x1  }
0x7c: {  	v3 =	vperm.xlane v3, v2;
	_ =	sdelay $0x1  }
0x7d: {  	v3 =	vadd.s32 v1, v3  }
0x7e: {  	[tilespmem:s23], [sflag:$0x1] =	stream.indirect_vreg.gather [hbm4b:s3+s2], $0x80, v4, vm0, $0xb8;
	[tilespmem:$0x10080] =	vst v63  }
0x7f: {  	_ = 	snop  }
0x80: {  	[tilespmem:s24], [sflag:$0x1] =	stream.indirect_vreg.gather [hbm4b:s4+s2], $0x80, v4, vm0, $0xb8;
	[tilespmem:$0x10080] =	vst v63  }
0x81: {  	_ = 	snop  }
0x82: {  	[tilespmem:s25], [sflag:$0x1] =	stream.indirect_vreg.gather [hbm4b:s3+s2], $0x80, v3, vm0, $0xb8;
	[tilespmem:$0x10080] =	vst v63  }
0x83: {  	_ = 	snop  }
0x84: {  	[tilespmem:s26], [sflag:$0x1] =	stream.indirect_vreg.gather [hbm4b:s4+s2], $0x80, v3, vm0, $0xb8;
	[tilespmem:$0x10080] =	vst v63  }
0x85: {  	v3 =	vld [tilespmem:$0x70];
	_ =	sdelay $0x4  }
0x86: {  	v63 =	vshll.u32 v3, $0x2  }
0x87: {  	v3 =	vand.u32 $0x7, v3;
	v4 =	vand.u32 $0xFFFFFFE0, v63  }
0x88: {  	v3 =	vor.u32 v3, v4  }
0x89: {  	v4 =	vperm.xlane v3, v0;
	_ =	sdelay $0x1  }
0x8a: {  	v4 =	vadd.s32 v1, v4;
	_ =	sdelay $0x1  }
0x8b: {  	v3 =	vperm.xlane v3, v2;
	_ =	sdelay $0x1  }
0x8c: {  	v3 =	vadd.s32 v1, v3  }
0x8d: {  	[tilespmem:s28], [sflag:$0x1] =	stream.indirect_vreg.gather [hbm4b:s3+s2], $0x80, v4, vm0, $0xb8;
	[tilespmem:$0x10080] =	vst v63  }
0x8e: {  	_ = 	snop  }
0x8f: {  	[tilespmem:s29], [sflag:$0x1] =	stream.indirect_vreg.gather [hbm4b:s4+s2], $0x80, v4, vm0, $0xb8;
	[tilespmem:$0x10080] =	vst v63  }
0x90: {  	_ = 	snop  }
0x91: {  	[tilespmem:s30], [sflag:$0x1] =	stream.indirect_vreg.gather [hbm4b:s3+s2], $0x80, v3, vm0, $0xb8;
	[tilespmem:$0x10080] =	vst v63  }
0x92: {  	_ = 	snop  }
0x93: {  	[tilespmem:s31], [sflag:$0x1] =	stream.indirect_vreg.gather [hbm4b:s4+s2], $0x80, v3, vm0, $0xb8;
	[tilespmem:$0x10080] =	vst v63  }
0x94: {  	_ =	swait.ge [sflag:s1], $0x10000  }
0x95: {  	p0 =	sne.s32 s5, $0x1;
	[sflag:s1] =	ssyncset.done $0x0  }
.Ltmp0:
0x96: {  	s8 =	rddreg [dreg:$0x4];
	[sflag:s1] =	ssyncadd.s32 $0xFFFF0000;
	(pc) =	sbr.rel @p0 .LBB2_1-.Ltmp0, $4  }
0x97: {  	[hbm4b:s8+s2] =	stream.linear.scatter [tilespmem:s7], [sflag:$0x2], $0x10000, $0x38;
	[tilespmem:$0x10080] =	vst v63  }
0x98: {  	_ =	swait.ge [sflag:s6], $0x10000  }
0x99: {  	[sflag:s6] =	ssyncset.done $0x0  }
0x9a: {  	s5 =	sadd.s32 $0xFFFFFFFF, s5;
	[sflag:s6] =	ssyncadd.s32 $0xFFFF0000  }
0x9b: {  	_ =	sfence.sel $0x180000  }
0x9c: {  	[bflag:$0x0] =	sbarrier.arrive $0xFFFF  }
0x9d: {  	_ =	strace $0x90000047  }
0x9e: {  	s0 =	stileid.u32;
	[bflag:$0x2] =	sbarrier.arrive $0xFFFF  }
0x9f: {  	p0 =	sne.s32 s0, $0x0;
	s0 =	rddreg [dreg:$0x2]  }
0xa0: {  	s0 =	sadd.s32 @!p0 $0x100000, s0  }
0xa1: {  	[sflag:s0] =	ssyncadd.tile.s32 @!p0 $0x1;
	_ =	shalt  }
.Lfunc_end2:
_tile_overlayer_lowered:
.L_overlay_start_2:
0xa2: {  	(tag) =	ssettag $0x2  }
0xa3: {  	s0 =	rddreg [dreg:$0x0];
	s2 =	stileid.u32  }
0xa4: {  	s1 =	rddreg [dreg:$0x1];
	p0 =	sne.s32 s2, $0x0  }
0xa5: {  	s3 =	rddreg [dreg:$0x2];
	[bflag:$0x3] =	sbarrier.arrive $0xFFFF;
	s2 =	simm.s32 @!p0 $0x1C02  }
0xa6: {  	[timem:s3], [sflag:s2] =	dma.local @!p0 [hbm:s0], s1  }
0xa7: {  	s0 =	simm.s32 @!p0 $0x2  }
0xa8: {  	_ =	swait.ge @!p0 [sflag:s0], s1  }
0xa9: {  	s1 =	ssub.s32 @!p0 $0x0, s1;
	[sflag:s0] =	ssyncset.done @!p0 $0x0  }
0xaa: {  	[sflag:s0] =	ssyncadd.s32 @!p0 s1  }
0xab: {  	[bflag:$0x3] =	sbarrier.arrive $0xFFFF  }
0xac: {  	_ =	shalt  }

</sc_bundles>
